<compile_context>
chip_gen: v7x
topology: tpu7x:2x2x1
jax: 0.10.2.dev20260603
libtpu: 0.0.44.dev20260713+nightly
codegen_flags: <defaults>
</compile_context>

<pallas_src>
import functools

import jax
import jax.numpy as jnp
from jax import lax
from jax.experimental import pallas as pl
from jax.experimental.pallas import tpu as pltpu
from jax.experimental.pallas import tpu_sc as plsc

_CHUNK = 128
_LANES = 16


@functools.lru_cache(maxsize=None)
def _build_emb_kernel(B, V, D):
    info = plsc.get_sparse_core_info()
    num_workers = info.num_cores * info.num_subcores
    b_per_w = B // num_workers
    n_chunks = b_per_w // _CHUNK

    mesh = plsc.VectorSubcoreMesh(core_axis_name="c", subcore_axis_name="s")

    @functools.partial(
        pl.kernel,
        mesh=mesh,
        out_type=jax.ShapeDtypeStruct((D, B), jnp.float32),
        scratch_types=[
            pltpu.VMEM((b_per_w,), jnp.int32),
            pltpu.VMEM((b_per_w, D), jnp.float32),
            pltpu.VMEM((D, b_per_w + 1), jnp.float32),
            pltpu.SemaphoreType.DMA,
            pltpu.SemaphoreType.DMA,
        ],
        compiler_params=pltpu.CompilerParams(
            use_tc_tiling_on_sc=False, needs_layout_passes=False
        ),
    )
    def emb(idx_hbm, table_hbm, out_hbm, idx_v, rows_v, rows_t, sem, out_sem):
        wid = lax.axis_index("s") * info.num_cores + lax.axis_index("c")
        base = wid * b_per_w
        pltpu.sync_copy(idx_hbm.at[pl.ds(base, b_per_w)], idx_v)

        def start_gather(j):
            return pltpu.async_copy(
                table_hbm.at[idx_v.at[pl.ds(j * _CHUNK, _CHUNK)]],
                rows_v.at[pl.ds(j * _CHUNK, _CHUNK)],
                sem,
            )

        lane = lax.iota(jnp.int32, _LANES)
        d_vecs = [d0 * _LANES + lane for d0 in range(D // _LANES)]

        pending = start_gather(0)
        out_copies = []
        for j in range(n_chunks):
            nxt = start_gather(j + 1) if j + 1 < n_chunks else None
            pending.wait()

            @plsc.parallel_loop(j * _CHUNK, (j + 1) * _CHUNK)
            def transpose_row(b):
                b_vec = jnp.full((_LANES,), b, jnp.int32)
                for d0 in range(D // _LANES):
                    vals = rows_v[b, pl.ds(d0 * _LANES, _LANES)]
                    plsc.store_scatter(rows_t, [d_vecs[d0], b_vec], vals)

            out_copies.append(
                pltpu.async_copy(
                    rows_t.at[:, pl.ds(j * _CHUNK, _CHUNK)],
                    out_hbm.at[:, pl.ds(base + j * _CHUNK, _CHUNK)],
                    out_sem,
                )
            )
            pending = nxt
        for c in out_copies:
            c.wait()

    return emb


def kernel(disaster_type_idx, embedding_weight):
    (B,) = disaster_type_idx.shape
    V, D = embedding_weight.shape
    emb = _build_emb_kernel(B, V, D)
    out_t = emb(disaster_type_idx.astype(jnp.int32), embedding_weight)
    return out_t.T

# --- scband reference (transcript-rebuilt; emitter-appended) ---
"""Pipeline reference for scband-disaster-type-embedding-11295763988927 (READ-ONLY COPY).

The authoritative reference and input builder live on the scoring server;
editing this copy changes nothing except your own understanding.
"""

import jax, jax.numpy as jnp
import numpy as np

NUM_TYPES = 100000
EMBED_DIM = 64
BATCH = 16384


def setup_inputs(seed: int = 0) -> dict:
    key = jax.random.key(seed)
    k_idx, k_emb = jax.random.split(key)
    disaster_type_idx = jax.random.randint(k_idx, (BATCH,), 0, NUM_TYPES, dtype=jnp.int64) if jax.config.jax_enable_x64 else jax.random.randint(k_idx, (BATCH,), 0, NUM_TYPES, dtype=jnp.int32)
    embedding_weight = jax.random.normal(k_emb, (NUM_TYPES, EMBED_DIM), dtype=jnp.float32)
    return {"disaster_type_idx": disaster_type_idx, "embedding_weight": embedding_weight}


def reference(disaster_type_idx, embedding_weight):
    # nn.Embedding forward: gather rows of the table
    return jnp.take(embedding_weight, disaster_type_idx, axis=0)

if __name__ == "__main__":
    import jax
    _d = setup_inputs()
    print(jax.jit(kernel)(*tuple(_d.values())))

</pallas_src>

<mosaic_0001>
#map = affine_map<(d0, d1) -> (0)>
#map1 = affine_map<(d0, d1) -> (0, 0)>
module attributes {stable_mosaic.version = 14 : i64} {
  func.func @emb(%arg0: i32, %arg1: i32, %arg2: memref<16384xi32, #tpu.memory_space<hbm>>, %arg3: memref<100000x64xf32, #tpu.memory_space<hbm>>, %arg4: memref<64x16384xf32, #tpu.memory_space<hbm>>, %arg5: memref<512xi32, #tpu.memory_space<vmem>>, %arg6: memref<512x64xf32, #tpu.memory_space<vmem>>, %arg7: memref<64x513xf32, #tpu.memory_space<vmem>>, %arg8: memref<!tpu.dma_semaphore, #tpu.memory_space<semaphore_mem>>, %arg9: memref<!tpu.dma_semaphore, #tpu.memory_space<semaphore_mem>>) attributes {dimension_semantics = [#tpu.dimension_semantics<core_parallel>, #tpu.dimension_semantics<subcore_parallel>], iteration_bounds = array<i64: 2, 16>, scalar_prefetch = 0 : i64, scratch_operands = 5 : i64, tpu.core_type = #tpu.core_type<sc_vector_subcore>, window_params = [{transform_indices = #map}, {transform_indices = #map1}, {transform_indices = #map1}]} {
    %mul3A = arith.constant 2 : i32
    %mul3A_0 = arith.muli %arg1, %mul3A : i32
    %add3A = arith.addi %mul3A_0, %arg0 : i32
    %mul3A_1 = arith.constant 512 : i32
    %mul3A_2 = arith.muli %add3A, %mul3A_1 : i32
    "tpu.region"() ({
      %run_scoped3A = tpu.sem_alloc : memref<!tpu.dma_semaphore, #tpu.memory_space<semaphore_mem>>
      %dma_start3A_176 = tpu.memref_slice %arg2[%mul3A_2] : memref<16384xi32, #tpu.memory_space<hbm>> -> memref<512xi32, #tpu.memory_space<hbm>>
      %dma_start3A_177 = tpu.memref_slice %arg2[%mul3A_2] : memref<16384xi32, #tpu.memory_space<hbm>> -> memref<512xi32, #tpu.memory_space<hbm>>
      tpu.enqueue_dma source(%dma_start3A_177 : memref<512xi32, #tpu.memory_space<hbm>>) target(%arg5 : memref<512xi32, #tpu.memory_space<vmem>>) target_semaphore(%run_scoped3A : memref<!tpu.dma_semaphore, #tpu.memory_space<semaphore_mem>>)
      %dma_wait3A_178 = tpu.memref_slice %arg2[%mul3A_2] : memref<16384xi32, #tpu.memory_space<hbm>> -> memref<512xi32, #tpu.memory_space<hbm>>
      %dma_wait3A_179 = tpu.memref_slice %arg2[%mul3A_2] : memref<16384xi32, #tpu.memory_space<hbm>> -> memref<512xi32, #tpu.memory_space<hbm>>
      tpu.wait_dma2 semaphore(%run_scoped3A : memref<!tpu.dma_semaphore, #tpu.memory_space<semaphore_mem>>) src(%dma_wait3A_179 : memref<512xi32, #tpu.memory_space<hbm>>) dst(%arg5 : memref<512xi32, #tpu.memory_space<vmem>>)
      tpu.yield
    }) : () -> ()
    %iota3A = tpu.iota {dimensions = array<i32: 0>} : vector<16xi32>
    %add3A_3 = arith.constant 0 : i32
    %add3A_4 = vector.broadcast %add3A_3 : i32 to vector<16xi32>
    %add3A_5 = arith.addi %add3A_4, %iota3A : vector<16xi32>
    %add3A_6 = arith.constant 16 : i32
    %add3A_7 = vector.broadcast %add3A_6 : i32 to vector<16xi32>
    %add3A_8 = arith.addi %add3A_7, %iota3A : vector<16xi32>
    %add3A_9 = arith.constant 32 : i32
    %add3A_10 = vector.broadcast %add3A_9 : i32 to vector<16xi32>
    %add3A_11 = arith.addi %add3A_10, %iota3A : vector<16xi32>
    %add3A_12 = arith.constant 48 : i32
    %add3A_13 = vector.broadcast %add3A_12 : i32 to vector<16xi32>
    %add3A_14 = arith.addi %add3A_13, %iota3A : vector<16xi32>
    %dma_start3A = arith.constant 0 : i32
    %dma_start3A_15 = arith.constant 0 : i32
    %dma_start3A_16 = tpu.memref_slice %arg6[%dma_start3A, %dma_start3A_15] : memref<512x64xf32, #tpu.memory_space<vmem>> -> memref<128x64xf32, #tpu.memory_space<vmem>>
    %dma_start3A_17 = arith.constant 0 : i32
    %dma_start3A_18 = tpu.memref_slice %arg5[%dma_start3A_17] : memref<512xi32, #tpu.memory_space<vmem>> -> memref<128xi32, #tpu.memory_space<vmem>>
    %dma_start3A_19 = arith.constant 0 : i32
    %dma_start3A_20 = arith.constant 0 : i32
    %dma_start3A_21 = tpu.memref_slice %arg3[%dma_start3A_19, %dma_start3A_20] : memref<100000x64xf32, #tpu.memory_space<hbm>> -> memref<100000x64xf32, #tpu.memory_space<hbm>>
    tpu.enqueue_indirect_dma source(%dma_start3A_21 : memref<100000x64xf32, #tpu.memory_space<hbm>>) target(%dma_start3A_16 : memref<128x64xf32, #tpu.memory_space<vmem>>) offsets(%dma_start3A_18 : memref<128xi32, #tpu.memory_space<vmem>>) semaphore(%arg8 : memref<!tpu.dma_semaphore, #tpu.memory_space<semaphore_mem>>)
    %dma_start3A_22 = arith.constant 128 : i32
    %dma_start3A_23 = arith.constant 0 : i32
    %dma_start3A_24 = tpu.memref_slice %arg6[%dma_start3A_22, %dma_start3A_23] : memref<512x64xf32, #tpu.memory_space<vmem>> -> memref<128x64xf32, #tpu.memory_space<vmem>>
    %dma_start3A_25 = arith.constant 128 : i32
    %dma_start3A_26 = tpu.memref_slice %arg5[%dma_start3A_25] : memref<512xi32, #tpu.memory_space<vmem>> -> memref<128xi32, #tpu.memory_space<vmem>>
    %dma_start3A_27 = arith.constant 0 : i32
    %dma_start3A_28 = arith.constant 0 : i32
    %dma_start3A_29 = tpu.memref_slice %arg3[%dma_start3A_27, %dma_start3A_28] : memref<100000x64xf32, #tpu.memory_space<hbm>> -> memref<100000x64xf32, #tpu.memory_space<hbm>>
    tpu.enqueue_indirect_dma source(%dma_start3A_29 : memref<100000x64xf32, #tpu.memory_space<hbm>>) target(%dma_start3A_24 : memref<128x64xf32, #tpu.memory_space<vmem>>) offsets(%dma_start3A_26 : memref<128xi32, #tpu.memory_space<vmem>>) semaphore(%arg8 : memref<!tpu.dma_semaphore, #tpu.memory_space<semaphore_mem>>)
    %dma_wait3A = arith.constant 0 : i32
    %dma_wait3A_30 = arith.constant 0 : i32
    %dma_wait3A_31 = tpu.memref_slice %arg6[%dma_wait3A, %dma_wait3A_30] : memref<512x64xf32, #tpu.memory_space<vmem>> -> memref<128x64xf32, #tpu.memory_space<vmem>>
    %dma_wait3A_32 = arith.constant 0 : i32
    %dma_wait3A_33 = tpu.memref_slice %arg5[%dma_wait3A_32] : memref<512xi32, #tpu.memory_space<vmem>> -> memref<128xi32, #tpu.memory_space<vmem>>
    %dma_wait3A_34 = arith.constant 0 : i32
    %dma_wait3A_35 = arith.constant 0 : i32
    %dma_wait3A_36 = tpu.memref_slice %arg3[%dma_wait3A_34, %dma_wait3A_35] : memref<100000x64xf32, #tpu.memory_space<hbm>> -> memref<100000x64xf32, #tpu.memory_space<hbm>>
    tpu.wait_indirect_dma semaphore(%arg8 : memref<!tpu.dma_semaphore, #tpu.memory_space<semaphore_mem>>) src(%dma_wait3A_36 : memref<100000x64xf32, #tpu.memory_space<hbm>>) dst(%dma_wait3A_31 : memref<128x64xf32, #tpu.memory_space<vmem>>)
    %parallel_loop3A = arith.constant 0 : i32
    %parallel_loop3A_37 = arith.constant 128 : i32
    %parallel_loop3A_38 = arith.constant 1 : i32
    scf.for %parallel_loop3A_176 = %parallel_loop3A to %parallel_loop3A_37 step %parallel_loop3A_38  : i32 {
      %parallel_loop3A_177 = vector.broadcast %parallel_loop3A_176 : i32 to vector<16xi32>
      %parallel_loop3A_178 = arith.index_cast %parallel_loop3A_176 : i32 to index
      %parallel_loop3A_179 = arith.constant 0 : index
      %parallel_loop3A_180 = tpu.vector_load %arg6[%parallel_loop3A_178, %parallel_loop3A_179] {strides = array<i32>} : memref<512x64xf32, #tpu.memory_space<vmem>>, vector<16xf32>,
      tpu.vector_store_idx %arg7[%add3A_5, %parallel_loop3A_177], %parallel_loop3A_180 : memref<64x513xf32, #tpu.memory_space<vmem>>[vector<16xi32>, vector<16xi32>], vector<16xf32>,
      %parallel_loop3A_181 = arith.index_cast %parallel_loop3A_176 : i32 to index
      %parallel_loop3A_182 = arith.constant 16 : index
      %parallel_loop3A_183 = tpu.vector_load %arg6[%parallel_loop3A_181, %parallel_loop3A_182] {strides = array<i32>} : memref<512x64xf32, #tpu.memory_space<vmem>>, vector<16xf32>,
      tpu.vector_store_idx %arg7[%add3A_8, %parallel_loop3A_177], %parallel_loop3A_183 : memref<64x513xf32, #tpu.memory_space<vmem>>[vector<16xi32>, vector<16xi32>], vector<16xf32>,
      %parallel_loop3A_184 = arith.index_cast %parallel_loop3A_176 : i32 to index
      %parallel_loop3A_185 = arith.constant 32 : index
      %parallel_loop3A_186 = tpu.vector_load %arg6[%parallel_loop3A_184, %parallel_loop3A_185] {strides = array<i32>} : memref<512x64xf32, #tpu.memory_space<vmem>>, vector<16xf32>,
      tpu.vector_store_idx %arg7[%add3A_11, %parallel_loop3A_177], %parallel_loop3A_186 : memref<64x513xf32, #tpu.memory_space<vmem>>[vector<16xi32>, vector<16xi32>], vector<16xf32>,
      %parallel_loop3A_187 = arith.index_cast %parallel_loop3A_176 : i32 to index
      %parallel_loop3A_188 = arith.constant 48 : index
      %parallel_loop3A_189 = tpu.vector_load %arg6[%parallel_loop3A_187, %parallel_loop3A_188] {strides = array<i32>} : memref<512x64xf32, #tpu.memory_space<vmem>>, vector<16xf32>,
      tpu.vector_store_idx %arg7[%add3A_14, %parallel_loop3A_177], %parallel_loop3A_189 : memref<64x513xf32, #tpu.memory_space<vmem>>[vector<16xi32>, vector<16xi32>], vector<16xf32>,
    } {sc.loop_unroll_factor = 1 : i64, sc.parallel_access}
    %add3A_39 = arith.constant 0 : i32
    %add3A_40 = arith.addi %mul3A_2, %add3A_39 : i32
    %dma_start3A_41 = arith.constant 0 : i32
    %dma_start3A_42 = arith.constant 0 : i32
    %dma_start3A_43 = tpu.memref_slice %arg7[%dma_start3A_41, %dma_start3A_42] : memref<64x513xf32, #tpu.memory_space<vmem>> -> memref<64x128xf32, #tpu.memory_space<vmem>>
    %dma_start3A_44 = arith.constant 0 : i32
    %dma_start3A_45 = tpu.memref_slice %arg4[%dma_start3A_44, %add3A_40] : memref<64x16384xf32, #tpu.memory_space<hbm>> -> memref<64x128xf32, #tpu.memory_space<hbm>>
    %dma_start3A_46 = arith.constant 0 : i32
    %dma_start3A_47 = tpu.memref_slice %arg4[%dma_start3A_46, %add3A_40] : memref<64x16384xf32, #tpu.memory_space<hbm>> -> memref<64x128xf32, #tpu.memory_space<hbm>>
    %dma_start3A_48 = arith.constant 0 : i32
    %dma_start3A_49 = arith.constant 0 : i32
    %dma_start3A_50 = tpu.memref_slice %arg7[%dma_start3A_48, %dma_start3A_49] : memref<64x513xf32, #tpu.memory_space<vmem>> -> memref<64x128xf32, #tpu.memory_space<vmem>>
    tpu.enqueue_dma source(%dma_start3A_50 : memref<64x128xf32, #tpu.memory_space<vmem>>) target(%dma_start3A_47 : memref<64x128xf32, #tpu.memory_space<hbm>>) target_semaphore(%arg9 : memref<!tpu.dma_semaphore, #tpu.memory_space<semaphore_mem>>)
    %dma_start3A_51 = arith.constant 256 : i32
    %dma_start3A_52 = arith.constant 0 : i32
    %dma_start3A_53 = tpu.memref_slice %arg6[%dma_start3A_51, %dma_start3A_52] : memref<512x64xf32, #tpu.memory_space<vmem>> -> memref<128x64xf32, #tpu.memory_space<vmem>>
    %dma_start3A_54 = arith.constant 256 : i32
    %dma_start3A_55 = tpu.memref_slice %arg5[%dma_start3A_54] : memref<512xi32, #tpu.memory_space<vmem>> -> memref<128xi32, #tpu.memory_space<vmem>>
    %dma_start3A_56 = arith.constant 0 : i32
    %dma_start3A_57 = arith.constant 0 : i32
    %dma_start3A_58 = tpu.memref_slice %arg3[%dma_start3A_56, %dma_start3A_57] : memref<100000x64xf32, #tpu.memory_space<hbm>> -> memref<100000x64xf32, #tpu.memory_space<hbm>>
    tpu.enqueue_indirect_dma source(%dma_start3A_58 : memref<100000x64xf32, #tpu.memory_space<hbm>>) target(%dma_start3A_53 : memref<128x64xf32, #tpu.memory_space<vmem>>) offsets(%dma_start3A_55 : memref<128xi32, #tpu.memory_space<vmem>>) semaphore(%arg8 : memref<!tpu.dma_semaphore, #tpu.memory_space<semaphore_mem>>)
    %dma_wait3A_59 = arith.constant 128 : i32
    %dma_wait3A_60 = arith.constant 0 : i32
    %dma_wait3A_61 = tpu.memref_slice %arg6[%dma_wait3A_59, %dma_wait3A_60] : memref<512x64xf32, #tpu.memory_space<vmem>> -> memref<128x64xf32, #tpu.memory_space<vmem>>
    %dma_wait3A_62 = arith.constant 128 : i32
    %dma_wait3A_63 = tpu.memref_slice %arg5[%dma_wait3A_62] : memref<512xi32, #tpu.memory_space<vmem>> -> memref<128xi32, #tpu.memory_space<vmem>>
    %dma_wait3A_64 = arith.constant 0 : i32
    %dma_wait3A_65 = arith.constant 0 : i32
    %dma_wait3A_66 = tpu.memref_slice %arg3[%dma_wait3A_64, %dma_wait3A_65] : memref<100000x64xf32, #tpu.memory_space<hbm>> -> memref<100000x64xf32, #tpu.memory_space<hbm>>
    tpu.wait_indirect_dma semaphore(%arg8 : memref<!tpu.dma_semaphore, #tpu.memory_space<semaphore_mem>>) src(%dma_wait3A_66 : memref<100000x64xf32, #tpu.memory_space<hbm>>) dst(%dma_wait3A_61 : memref<128x64xf32, #tpu.memory_space<vmem>>)
    %parallel_loop3A_67 = arith.constant 128 : i32
    %parallel_loop3A_68 = arith.constant 256 : i32
    %parallel_loop3A_69 = arith.constant 1 : i32
    scf.for %parallel_loop3A_176 = %parallel_loop3A_67 to %parallel_loop3A_68 step %parallel_loop3A_69  : i32 {
      %parallel_loop3A_177 = vector.broadcast %parallel_loop3A_176 : i32 to vector<16xi32>
      %parallel_loop3A_178 = arith.index_cast %parallel_loop3A_176 : i32 to index
      %parallel_loop3A_179 = arith.constant 0 : index
      %parallel_loop3A_180 = tpu.vector_load %arg6[%parallel_loop3A_178, %parallel_loop3A_179] {strides = array<i32>} : memref<512x64xf32, #tpu.memory_space<vmem>>, vector<16xf32>,
      tpu.vector_store_idx %arg7[%add3A_5, %parallel_loop3A_177], %parallel_loop3A_180 : memref<64x513xf32, #tpu.memory_space<vmem>>[vector<16xi32>, vector<16xi32>], vector<16xf32>,
      %parallel_loop3A_181 = arith.index_cast %parallel_loop3A_176 : i32 to index
      %parallel_loop3A_182 = arith.constant 16 : index
      %parallel_loop3A_183 = tpu.vector_load %arg6[%parallel_loop3A_181, %parallel_loop3A_182] {strides = array<i32>} : memref<512x64xf32, #tpu.memory_space<vmem>>, vector<16xf32>,
      tpu.vector_store_idx %arg7[%add3A_8, %parallel_loop3A_177], %parallel_loop3A_183 : memref<64x513xf32, #tpu.memory_space<vmem>>[vector<16xi32>, vector<16xi32>], vector<16xf32>,
      %parallel_loop3A_184 = arith.index_cast %parallel_loop3A_176 : i32 to index
      %parallel_loop3A_185 = arith.constant 32 : index
      %parallel_loop3A_186 = tpu.vector_load %arg6[%parallel_loop3A_184, %parallel_loop3A_185] {strides = array<i32>} : memref<512x64xf32, #tpu.memory_space<vmem>>, vector<16xf32>,
      tpu.vector_store_idx %arg7[%add3A_11, %parallel_loop3A_177], %parallel_loop3A_186 : memref<64x513xf32, #tpu.memory_space<vmem>>[vector<16xi32>, vector<16xi32>], vector<16xf32>,
      %parallel_loop3A_187 = arith.index_cast %parallel_loop3A_176 : i32 to index
      %parallel_loop3A_188 = arith.constant 48 : index
      %parallel_loop3A_189 = tpu.vector_load %arg6[%parallel_loop3A_187, %parallel_loop3A_188] {strides = array<i32>} : memref<512x64xf32, #tpu.memory_space<vmem>>, vector<16xf32>,
      tpu.vector_store_idx %arg7[%add3A_14, %parallel_loop3A_177], %parallel_loop3A_189 : memref<64x513xf32, #tpu.memory_space<vmem>>[vector<16xi32>, vector<16xi32>], vector<16xf32>,
    } {sc.loop_unroll_factor = 1 : i64, sc.parallel_access}
    %add3A_70 = arith.constant 128 : i32
    %add3A_71 = arith.addi %mul3A_2, %add3A_70 : i32
    %dma_start3A_72 = arith.constant 0 : i32
    %dma_start3A_73 = arith.constant 128 : i32
    %dma_start3A_74 = tpu.memref_slice %arg7[%dma_start3A_72, %dma_start3A_73] : memref<64x513xf32, #tpu.memory_space<vmem>> -> memref<64x128xf32, #tpu.memory_space<vmem>>
    %dma_start3A_75 = arith.constant 0 : i32
    %dma_start3A_76 = tpu.memref_slice %arg4[%dma_start3A_75, %add3A_71] : memref<64x16384xf32, #tpu.memory_space<hbm>> -> memref<64x128xf32, #tpu.memory_space<hbm>>
    %dma_start3A_77 = arith.constant 0 : i32
    %dma_start3A_78 = tpu.memref_slice %arg4[%dma_start3A_77, %add3A_71] : memref<64x16384xf32, #tpu.memory_space<hbm>> -> memref<64x128xf32, #tpu.memory_space<hbm>>
    %dma_start3A_79 = arith.constant 0 : i32
    %dma_start3A_80 = arith.constant 128 : i32
    %dma_start3A_81 = tpu.memref_slice %arg7[%dma_start3A_79, %dma_start3A_80] : memref<64x513xf32, #tpu.memory_space<vmem>> -> memref<64x128xf32, #tpu.memory_space<vmem>>
    tpu.enqueue_dma source(%dma_start3A_81 : memref<64x128xf32, #tpu.memory_space<vmem>>) target(%dma_start3A_78 : memref<64x128xf32, #tpu.memory_space<hbm>>) target_semaphore(%arg9 : memref<!tpu.dma_semaphore, #tpu.memory_space<semaphore_mem>>)
    %dma_start3A_82 = arith.constant 384 : i32
    %dma_start3A_83 = arith.constant 0 : i32
    %dma_start3A_84 = tpu.memref_slice %arg6[%dma_start3A_82, %dma_start3A_83] : memref<512x64xf32, #tpu.memory_space<vmem>> -> memref<128x64xf32, #tpu.memory_space<vmem>>
    %dma_start3A_85 = arith.constant 384 : i32
    %dma_start3A_86 = tpu.memref_slice %arg5[%dma_start3A_85] : memref<512xi32, #tpu.memory_space<vmem>> -> memref<128xi32, #tpu.memory_space<vmem>>
    %dma_start3A_87 = arith.constant 0 : i32
    %dma_start3A_88 = arith.constant 0 : i32
    %dma_start3A_89 = tpu.memref_slice %arg3[%dma_start3A_87, %dma_start3A_88] : memref<100000x64xf32, #tpu.memory_space<hbm>> -> memref<100000x64xf32, #tpu.memory_space<hbm>>
    tpu.enqueue_indirect_dma source(%dma_start3A_89 : memref<100000x64xf32, #tpu.memory_space<hbm>>) target(%dma_start3A_84 : memref<128x64xf32, #tpu.memory_space<vmem>>) offsets(%dma_start3A_86 : memref<128xi32, #tpu.memory_space<vmem>>) semaphore(%arg8 : memref<!tpu.dma_semaphore, #tpu.memory_space<semaphore_mem>>)
    %dma_wait3A_90 = arith.constant 256 : i32
    %dma_wait3A_91 = arith.constant 0 : i32
    %dma_wait3A_92 = tpu.memref_slice %arg6[%dma_wait3A_90, %dma_wait3A_91] : memref<512x64xf32, #tpu.memory_space<vmem>> -> memref<128x64xf32, #tpu.memory_space<vmem>>
    %dma_wait3A_93 = arith.constant 256 : i32
    %dma_wait3A_94 = tpu.memref_slice %arg5[%dma_wait3A_93] : memref<512xi32, #tpu.memory_space<vmem>> -> memref<128xi32, #tpu.memory_space<vmem>>
    %dma_wait3A_95 = arith.constant 0 : i32
    %dma_wait3A_96 = arith.constant 0 : i32
    %dma_wait3A_97 = tpu.memref_slice %arg3[%dma_wait3A_95, %dma_wait3A_96] : memref<100000x64xf32, #tpu.memory_space<hbm>> -> memref<100000x64xf32, #tpu.memory_space<hbm>>
    tpu.wait_indirect_dma semaphore(%arg8 : memref<!tpu.dma_semaphore, #tpu.memory_space<semaphore_mem>>) src(%dma_wait3A_97 : memref<100000x64xf32, #tpu.memory_space<hbm>>) dst(%dma_wait3A_92 : memref<128x64xf32, #tpu.memory_space<vmem>>)
    %parallel_loop3A_98 = arith.constant 256 : i32
    %parallel_loop3A_99 = arith.constant 384 : i32
    %parallel_loop3A_100 = arith.constant 1 : i32
    scf.for %parallel_loop3A_176 = %parallel_loop3A_98 to %parallel_loop3A_99 step %parallel_loop3A_100  : i32 {
      %parallel_loop3A_177 = vector.broadcast %parallel_loop3A_176 : i32 to vector<16xi32>
      %parallel_loop3A_178 = arith.index_cast %parallel_loop3A_176 : i32 to index
      %parallel_loop3A_179 = arith.constant 0 : index
      %parallel_loop3A_180 = tpu.vector_load %arg6[%parallel_loop3A_178, %parallel_loop3A_179] {strides = array<i32>} : memref<512x64xf32, #tpu.memory_space<vmem>>, vector<16xf32>,
      tpu.vector_store_idx %arg7[%add3A_5, %parallel_loop3A_177], %parallel_loop3A_180 : memref<64x513xf32, #tpu.memory_space<vmem>>[vector<16xi32>, vector<16xi32>], vector<16xf32>,
      %parallel_loop3A_181 = arith.index_cast %parallel_loop3A_176 : i32 to index
      %parallel_loop3A_182 = arith.constant 16 : index
      %parallel_loop3A_183 = tpu.vector_load %arg6[%parallel_loop3A_181, %parallel_loop3A_182] {strides = array<i32>} : memref<512x64xf32, #tpu.memory_space<vmem>>, vector<16xf32>,
      tpu.vector_store_idx %arg7[%add3A_8, %parallel_loop3A_177], %parallel_loop3A_183 : memref<64x513xf32, #tpu.memory_space<vmem>>[vector<16xi32>, vector<16xi32>], vector<16xf32>,
      %parallel_loop3A_184 = arith.index_cast %parallel_loop3A_176 : i32 to index
      %parallel_loop3A_185 = arith.constant 32 : index
      %parallel_loop3A_186 = tpu.vector_load %arg6[%parallel_loop3A_184, %parallel_loop3A_185] {strides = array<i32>} : memref<512x64xf32, #tpu.memory_space<vmem>>, vector<16xf32>,
      tpu.vector_store_idx %arg7[%add3A_11, %parallel_loop3A_177], %parallel_loop3A_186 : memref<64x513xf32, #tpu.memory_space<vmem>>[vector<16xi32>, vector<16xi32>], vector<16xf32>,
      %parallel_loop3A_187 = arith.index_cast %parallel_loop3A_176 : i32 to index
      %parallel_loop3A_188 = arith.constant 48 : index
      %parallel_loop3A_189 = tpu.vector_load %arg6[%parallel_loop3A_187, %parallel_loop3A_188] {strides = array<i32>} : memref<512x64xf32, #tpu.memory_space<vmem>>, vector<16xf32>,
      tpu.vector_store_idx %arg7[%add3A_14, %parallel_loop3A_177], %parallel_loop3A_189 : memref<64x513xf32, #tpu.memory_space<vmem>>[vector<16xi32>, vector<16xi32>], vector<16xf32>,
    } {sc.loop_unroll_factor = 1 : i64, sc.parallel_access}
    %add3A_101 = arith.constant 256 : i32
    %add3A_102 = arith.addi %mul3A_2, %add3A_101 : i32
    %dma_start3A_103 = arith.constant 0 : i32
    %dma_start3A_104 = arith.constant 256 : i32
    %dma_start3A_105 = tpu.memref_slice %arg7[%dma_start3A_103, %dma_start3A_104] : memref<64x513xf32, #tpu.memory_space<vmem>> -> memref<64x128xf32, #tpu.memory_space<vmem>>
    %dma_start3A_106 = arith.constant 0 : i32
    %dma_start3A_107 = tpu.memref_slice %arg4[%dma_start3A_106, %add3A_102] : memref<64x16384xf32, #tpu.memory_space<hbm>> -> memref<64x128xf32, #tpu.memory_space<hbm>>
    %dma_start3A_108 = arith.constant 0 : i32
    %dma_start3A_109 = tpu.memref_slice %arg4[%dma_start3A_108, %add3A_102] : memref<64x16384xf32, #tpu.memory_space<hbm>> -> memref<64x128xf32, #tpu.memory_space<hbm>>
    %dma_start3A_110 = arith.constant 0 : i32
    %dma_start3A_111 = arith.constant 256 : i32
    %dma_start3A_112 = tpu.memref_slice %arg7[%dma_start3A_110, %dma_start3A_111] : memref<64x513xf32, #tpu.memory_space<vmem>> -> memref<64x128xf32, #tpu.memory_space<vmem>>
    tpu.enqueue_dma source(%dma_start3A_112 : memref<64x128xf32, #tpu.memory_space<vmem>>) target(%dma_start3A_109 : memref<64x128xf32, #tpu.memory_space<hbm>>) target_semaphore(%arg9 : memref<!tpu.dma_semaphore, #tpu.memory_space<semaphore_mem>>)
    %dma_wait3A_113 = arith.constant 384 : i32
    %dma_wait3A_114 = arith.constant 0 : i32
    %dma_wait3A_115 = tpu.memref_slice %arg6[%dma_wait3A_113, %dma_wait3A_114] : memref<512x64xf32, #tpu.memory_space<vmem>> -> memref<128x64xf32, #tpu.memory_space<vmem>>
    %dma_wait3A_116 = arith.constant 384 : i32
    %dma_wait3A_117 = tpu.memref_slice %arg5[%dma_wait3A_116] : memref<512xi32, #tpu.memory_space<vmem>> -> memref<128xi32, #tpu.memory_space<vmem>>
    %dma_wait3A_118 = arith.constant 0 : i32
    %dma_wait3A_119 = arith.constant 0 : i32
    %dma_wait3A_120 = tpu.memref_slice %arg3[%dma_wait3A_118, %dma_wait3A_119] : memref<100000x64xf32, #tpu.memory_space<hbm>> -> memref<100000x64xf32, #tpu.memory_space<hbm>>
    tpu.wait_indirect_dma semaphore(%arg8 : memref<!tpu.dma_semaphore, #tpu.memory_space<semaphore_mem>>) src(%dma_wait3A_120 : memref<100000x64xf32, #tpu.memory_space<hbm>>) dst(%dma_wait3A_115 : memref<128x64xf32, #tpu.memory_space<vmem>>)
    %parallel_loop3A_121 = arith.constant 384 : i32
    %parallel_loop3A_122 = arith.constant 512 : i32
    %parallel_loop3A_123 = arith.constant 1 : i32
    scf.for %parallel_loop3A_176 = %parallel_loop3A_121 to %parallel_loop3A_122 step %parallel_loop3A_123  : i32 {
      %parallel_loop3A_177 = vector.broadcast %parallel_loop3A_176 : i32 to vector<16xi32>
      %parallel_loop3A_178 = arith.index_cast %parallel_loop3A_176 : i32 to index
      %parallel_loop3A_179 = arith.constant 0 : index
      %parallel_loop3A_180 = tpu.vector_load %arg6[%parallel_loop3A_178, %parallel_loop3A_179] {strides = array<i32>} : memref<512x64xf32, #tpu.memory_space<vmem>>, vector<16xf32>,
      tpu.vector_store_idx %arg7[%add3A_5, %parallel_loop3A_177], %parallel_loop3A_180 : memref<64x513xf32, #tpu.memory_space<vmem>>[vector<16xi32>, vector<16xi32>], vector<16xf32>,
      %parallel_loop3A_181 = arith.index_cast %parallel_loop3A_176 : i32 to index
      %parallel_loop3A_182 = arith.constant 16 : index
      %parallel_loop3A_183 = tpu.vector_load %arg6[%parallel_loop3A_181, %parallel_loop3A_182] {strides = array<i32>} : memref<512x64xf32, #tpu.memory_space<vmem>>, vector<16xf32>,
      tpu.vector_store_idx %arg7[%add3A_8, %parallel_loop3A_177], %parallel_loop3A_183 : memref<64x513xf32, #tpu.memory_space<vmem>>[vector<16xi32>, vector<16xi32>], vector<16xf32>,
      %parallel_loop3A_184 = arith.index_cast %parallel_loop3A_176 : i32 to index
      %parallel_loop3A_185 = arith.constant 32 : index
      %parallel_loop3A_186 = tpu.vector_load %arg6[%parallel_loop3A_184, %parallel_loop3A_185] {strides = array<i32>} : memref<512x64xf32, #tpu.memory_space<vmem>>, vector<16xf32>,
      tpu.vector_store_idx %arg7[%add3A_11, %parallel_loop3A_177], %parallel_loop3A_186 : memref<64x513xf32, #tpu.memory_space<vmem>>[vector<16xi32>, vector<16xi32>], vector<16xf32>,
      %parallel_loop3A_187 = arith.index_cast %parallel_loop3A_176 : i32 to index
      %parallel_loop3A_188 = arith.constant 48 : index
      %parallel_loop3A_189 = tpu.vector_load %arg6[%parallel_loop3A_187, %parallel_loop3A_188] {strides = array<i32>} : memref<512x64xf32, #tpu.memory_space<vmem>>, vector<16xf32>,
      tpu.vector_store_idx %arg7[%add3A_14, %parallel_loop3A_177], %parallel_loop3A_189 : memref<64x513xf32, #tpu.memory_space<vmem>>[vector<16xi32>, vector<16xi32>], vector<16xf32>,
    } {sc.loop_unroll_factor = 1 : i64, sc.parallel_access}
    %add3A_124 = arith.constant 384 : i32
    %add3A_125 = arith.addi %mul3A_2, %add3A_124 : i32
    %dma_start3A_126 = arith.constant 0 : i32
    %dma_start3A_127 = arith.constant 384 : i32
    %dma_start3A_128 = tpu.memref_slice %arg7[%dma_start3A_126, %dma_start3A_127] : memref<64x513xf32, #tpu.memory_space<vmem>> -> memref<64x128xf32, #tpu.memory_space<vmem>>
    %dma_start3A_129 = arith.constant 0 : i32
    %dma_start3A_130 = tpu.memref_slice %arg4[%dma_start3A_129, %add3A_125] : memref<64x16384xf32, #tpu.memory_space<hbm>> -> memref<64x128xf32, #tpu.memory_space<hbm>>
    %dma_start3A_131 = arith.constant 0 : i32
    %dma_start3A_132 = tpu.memref_slice %arg4[%dma_start3A_131, %add3A_125] : memref<64x16384xf32, #tpu.memory_space<hbm>> -> memref<64x128xf32, #tpu.memory_space<hbm>>
    %dma_start3A_133 = arith.constant 0 : i32
    %dma_start3A_134 = arith.constant 384 : i32
    %dma_start3A_135 = tpu.memref_slice %arg7[%dma_start3A_133, %dma_start3A_134] : memref<64x513xf32, #tpu.memory_space<vmem>> -> memref<64x128xf32, #tpu.memory_space<vmem>>
    tpu.enqueue_dma source(%dma_start3A_135 : memref<64x128xf32, #tpu.memory_space<vmem>>) target(%dma_start3A_132 : memref<64x128xf32, #tpu.memory_space<hbm>>) target_semaphore(%arg9 : memref<!tpu.dma_semaphore, #tpu.memory_space<semaphore_mem>>)
    %dma_wait3A_136 = arith.constant 0 : i32
    %dma_wait3A_137 = arith.constant 0 : i32
    %dma_wait3A_138 = tpu.memref_slice %arg7[%dma_wait3A_136, %dma_wait3A_137] : memref<64x513xf32, #tpu.memory_space<vmem>> -> memref<64x128xf32, #tpu.memory_space<vmem>>
    %dma_wait3A_139 = arith.constant 0 : i32
    %dma_wait3A_140 = tpu.memref_slice %arg4[%dma_wait3A_139, %add3A_40] : memref<64x16384xf32, #tpu.memory_space<hbm>> -> memref<64x128xf32, #tpu.memory_space<hbm>>
    %dma_wait3A_141 = arith.constant 0 : i32
    %dma_wait3A_142 = tpu.memref_slice %arg4[%dma_wait3A_141, %add3A_40] : memref<64x16384xf32, #tpu.memory_space<hbm>> -> memref<64x128xf32, #tpu.memory_space<hbm>>
    %dma_wait3A_143 = arith.constant 0 : i32
    %dma_wait3A_144 = arith.constant 0 : i32
    %dma_wait3A_145 = tpu.memref_slice %arg7[%dma_wait3A_143, %dma_wait3A_144] : memref<64x513xf32, #tpu.memory_space<vmem>> -> memref<64x128xf32, #tpu.memory_space<vmem>>
    tpu.wait_dma2 semaphore(%arg9 : memref<!tpu.dma_semaphore, #tpu.memory_space<semaphore_mem>>) src(%dma_wait3A_145 : memref<64x128xf32, #tpu.memory_space<vmem>>) dst(%dma_wait3A_142 : memref<64x128xf32, #tpu.memory_space<hbm>>)
    %dma_wait3A_146 = arith.constant 0 : i32
    %dma_wait3A_147 = arith.constant 128 : i32
    %dma_wait3A_148 = tpu.memref_slice %arg7[%dma_wait3A_146, %dma_wait3A_147] : memref<64x513xf32, #tpu.memory_space<vmem>> -> memref<64x128xf32, #tpu.memory_space<vmem>>
    %dma_wait3A_149 = arith.constant 0 : i32
    %dma_wait3A_150 = tpu.memref_slice %arg4[%dma_wait3A_149, %add3A_71] : memref<64x16384xf32, #tpu.memory_space<hbm>> -> memref<64x128xf32, #tpu.memory_space<hbm>>
    %dma_wait3A_151 = arith.constant 0 : i32
    %dma_wait3A_152 = tpu.memref_slice %arg4[%dma_wait3A_151, %add3A_71] : memref<64x16384xf32, #tpu.memory_space<hbm>> -> memref<64x128xf32, #tpu.memory_space<hbm>>
    %dma_wait3A_153 = arith.constant 0 : i32
    %dma_wait3A_154 = arith.constant 128 : i32
    %dma_wait3A_155 = tpu.memref_slice %arg7[%dma_wait3A_153, %dma_wait3A_154] : memref<64x513xf32, #tpu.memory_space<vmem>> -> memref<64x128xf32, #tpu.memory_space<vmem>>
    tpu.wait_dma2 semaphore(%arg9 : memref<!tpu.dma_semaphore, #tpu.memory_space<semaphore_mem>>) src(%dma_wait3A_155 : memref<64x128xf32, #tpu.memory_space<vmem>>) dst(%dma_wait3A_152 : memref<64x128xf32, #tpu.memory_space<hbm>>)
    %dma_wait3A_156 = arith.constant 0 : i32
    %dma_wait3A_157 = arith.constant 256 : i32
    %dma_wait3A_158 = tpu.memref_slice %arg7[%dma_wait3A_156, %dma_wait3A_157] : memref<64x513xf32, #tpu.memory_space<vmem>> -> memref<64x128xf32, #tpu.memory_space<vmem>>
    %dma_wait3A_159 = arith.constant 0 : i32
    %dma_wait3A_160 = tpu.memref_slice %arg4[%dma_wait3A_159, %add3A_102] : memref<64x16384xf32, #tpu.memory_space<hbm>> -> memref<64x128xf32, #tpu.memory_space<hbm>>
    %dma_wait3A_161 = arith.constant 0 : i32
    %dma_wait3A_162 = tpu.memref_slice %arg4[%dma_wait3A_161, %add3A_102] : memref<64x16384xf32, #tpu.memory_space<hbm>> -> memref<64x128xf32, #tpu.memory_space<hbm>>
    %dma_wait3A_163 = arith.constant 0 : i32
    %dma_wait3A_164 = arith.constant 256 : i32
    %dma_wait3A_165 = tpu.memref_slice %arg7[%dma_wait3A_163, %dma_wait3A_164] : memref<64x513xf32, #tpu.memory_space<vmem>> -> memref<64x128xf32, #tpu.memory_space<vmem>>
    tpu.wait_dma2 semaphore(%arg9 : memref<!tpu.dma_semaphore, #tpu.memory_space<semaphore_mem>>) src(%dma_wait3A_165 : memref<64x128xf32, #tpu.memory_space<vmem>>) dst(%dma_wait3A_162 : memref<64x128xf32, #tpu.memory_space<hbm>>)
    %dma_wait3A_166 = arith.constant 0 : i32
    %dma_wait3A_167 = arith.constant 384 : i32
    %dma_wait3A_168 = tpu.memref_slice %arg7[%dma_wait3A_166, %dma_wait3A_167] : memref<64x513xf32, #tpu.memory_space<vmem>> -> memref<64x128xf32, #tpu.memory_space<vmem>>
    %dma_wait3A_169 = arith.constant 0 : i32
    %dma_wait3A_170 = tpu.memref_slice %arg4[%dma_wait3A_169, %add3A_125] : memref<64x16384xf32, #tpu.memory_space<hbm>> -> memref<64x128xf32, #tpu.memory_space<hbm>>
    %dma_wait3A_171 = arith.constant 0 : i32
    %dma_wait3A_172 = tpu.memref_slice %arg4[%dma_wait3A_171, %add3A_125] : memref<64x16384xf32, #tpu.memory_space<hbm>> -> memref<64x128xf32, #tpu.memory_space<hbm>>
    %dma_wait3A_173 = arith.constant 0 : i32
    %dma_wait3A_174 = arith.constant 384 : i32
    %dma_wait3A_175 = tpu.memref_slice %arg7[%dma_wait3A_173, %dma_wait3A_174] : memref<64x513xf32, #tpu.memory_space<vmem>> -> memref<64x128xf32, #tpu.memory_space<vmem>>
    tpu.wait_dma2 semaphore(%arg9 : memref<!tpu.dma_semaphore, #tpu.memory_space<semaphore_mem>>) src(%dma_wait3A_175 : memref<64x128xf32, #tpu.memory_space<vmem>>) dst(%dma_wait3A_172 : memref<64x128xf32, #tpu.memory_space<hbm>>)
    return
  }
}

</mosaic_0001>

<sc_bundles>
// kernel: kernel.3.cloned.1.call-start
scs
__scs_entry_jumppad:
0x0: {  	(pc) =	sbr.rel $0x88, $3  }
0x1: {  	(tag) =	ssettag $0x0;
	lr =	simm.s32 $0x1  }
0x2: {  	[smem:$0x3F9F] =	sst lr;
	_ =	strace $0xD0000000  }
0x3: {  	_ = 	snop  }
0x4: {  	_ = 	snop  }
0x5: {  	_ = 	snop  }
0x6: {  	_ = 	snop  }
0x7: {  	_ = 	snop  }
__scs_overlays_trampoline_lowered:
0x8: {  	[smem:$0x3FAE] =	sst s0  }
0x9: {  	[smem:$0x3FAF] =	sst s1  }
0xa: {  	[smem:$0x3FB0] =	sst s2  }
0xb: {  	[smem:$0x3FB1] =	sst s3  }
0xc: {  	[smem:$0x3FB2] =	sst s4  }
0xd: {  	[smem:$0x3FB3] =	sst s5  }
0xe: {  	[smem:$0x3FB4] =	sst s6  }
0xf: {  	[smem:$0x3FB5] =	sst s7  }
0x10: {  	[smem:$0x3FB6] =	sst s8  }
0x11: {  	[smem:$0x3FB7] =	sst s9;
	s0 =	simm.s32 @!p0 $0x0  }
0x12: {  	s1 =	sld [smem:$0x3F9D];
	s0 =	simm.s32 @p0 $0x1  }
0x13: {  	[smem:$0x3FB8] =	sst s0;
	s0 =	simm.s32 @!p1 $0x0  }
0x14: {  	s2 =	sld [smem:$0x3F9C];
	s0 =	simm.s32 @p1 $0x1  }
0x15: {  	[smem:$0x3FB9] =	sst s0;
	s0 =	simm.s32 @!p2 $0x0  }
0x16: {  	s3 =	sld [smem:$0x3FDB];
	s0 =	simm.s32 @p2 $0x1  }
0x17: {  	s4 =	simm.s32 $0x1BF5;
	[smem:$0x3FBB] =	sst s0  }
0x18: {  	s0 =	sld [smem:$0x3F9E];
	_ =	swait.ge [sflag:s4], $0x0  }
0x19: {  	s7 =	sld [smem:$0x3F9F]  }
0x1a: {  	s8 =	sadd.s32 $0xFFFFE003, lr  }
0x1b: {  	s9 =	sadd.s32 $0xFFFFFEF7, lr;
	s5 =	simm.s32 $0xFFFFFFFF;
	p2 =	slt.u32 s8, $0xFFFFF086  }
0x1c: {  	p1 =	slt.u32 s9, $0xF7A;
	s5 =	simm.s32 @!p2 $0x0  }
0x1d: {  	s5 =	simm.s32 @p1 $0x1;
	p0 =	seq.s32 s7, s2  }
0x1e: {  	s7 =	smul.u32 @!p0 $0xF7A, s2;
	p2 =	seq.s32 @!p0 s5, $0x0  }
0x1f: {  	s9 =	smul.u32 $0xF7A, s1;
	s8 =	simm.s32 @!p0 $0x1BF5;
	p2 =	por !p2, p0  }
0x20: {  	[sflag:s8] =	ssyncset.s32 @!p0 $0xFFFFF086;
	s6 =	sadd.s32 @!p0 s3, s7;
	s7 =	simm.s32 @!p0 $0x108  }
0x21: {  	s3 =	sadd.s32 s3, s9;
	s6 =	sadd.s32 @!p0 $0x88, s6;
	s7 =	simm.s32 @p2 $0x1082  }
0x22: {  	[simem:s7], [sflag:s8] =	dma.local @!p0 [hbm:s6], $0xF7A  }
0x23: {  	s9 =	sor.u32 $0xD0000000, s2;
	s6 =	simm.s32 $0x108;
	_ =	swait.ge @!p0 [sflag:s8], $0x0  }
0x24: {  	s3 =	sadd.s32 $0x88, s3;
	s6 =	simm.s32 @!p1 $0x1082;
	[sflag:s4] =	ssyncset.s32 $0xFFFFF086  }
0x25: {  	[simem:s6], [sflag:s4] =	dma.local [hbm:s3], $0xF7A  }
0x26: {  	[smem:$0x3F9F] =	sst s1;
	(tag) =	ssettag s2;
	_ =	strace s9  }
0x27: {  	s1 =	sld [smem:$0x3FAF]  }
0x28: {  	s2 =	sld [smem:$0x3FB0]  }
0x29: {  	s4 =	sld [smem:$0x3FB2]  }
0x2a: {  	p0 =	seq.s32 s5, $0x0;
	s5 =	sld [smem:$0x3FB3]  }
0x2b: {  	s6 =	sld [smem:$0x3FB4]  }
0x2c: {  	s7 =	sld [smem:$0x3FB5]  }
0x2d: {  	s3 =	simm.s32 $0x108;
	s8 =	sld [smem:$0x3FB6]  }
0x2e: {  	s3 =	simm.s32 @!p0 $0x1082;
	s9 =	sld [smem:$0x3FB7]  }
0x2f: {  	lr =	sadd.s32 s0, s3;
	s0 =	sld [smem:$0x3FAE]  }
0x30: {  	s3 =	sld [smem:$0x3FB1]  }
0x31: {  	[smem:$0x3FBA] =	sst s10  }
0x32: {  	s10 =	sld [smem:$0x3FB8];
	_ =	sdelay $0x3  }
0x33: {  	p0 =	seq.s32 s10, $0x1;
	s10 =	sld [smem:$0x3FBA];
	_ =	sdelay $0x3  }
0x34: {  	[smem:$0x3FBA] =	sst s10  }
0x35: {  	s10 =	sld [smem:$0x3FB9];
	_ =	sdelay $0x3  }
0x36: {  	p1 =	seq.s32 s10, $0x1;
	s10 =	sld [smem:$0x3FBA];
	_ =	sdelay $0x3  }
0x37: {  	[smem:$0x3FBA] =	sst s10  }
0x38: {  	s10 =	sld [smem:$0x3FBB]  }
0x39: {  	_ = 	snop;
	(pc) =	sbr.ind lr, $3  }
0x3a: {  	_ = 	snop  }
0x3b: {  	_ = 	snop  }
0x3c: {  	p2 =	seq.s32 s10, $0x1;
	s10 =	sld [smem:$0x3FBA]  }
0x3d: {  	_ =	shalt  }
0x3e: {  	_ =	shalt  }
0x3f: {  	_ =	shalt  }
0x40: {  	_ =	shalt  }
0x41: {  	_ =	shalt  }
0x42: {  	_ =	shalt  }
0x43: {  	_ =	shalt  }
0x44: {  	_ =	shalt  }
0x45: {  	_ =	shalt  }
0x46: {  	_ =	shalt  }
0x47: {  	_ =	shalt  }
0x48: {  	_ =	shalt  }
0x49: {  	_ =	shalt  }
0x4a: {  	_ =	shalt  }
0x4b: {  	_ =	shalt  }
0x4c: {  	_ =	shalt  }
0x4d: {  	_ =	shalt  }
0x4e: {  	_ =	shalt  }
0x4f: {  	_ =	shalt  }
0x50: {  	_ =	shalt  }
0x51: {  	_ =	shalt  }
0x52: {  	_ =	shalt  }
0x53: {  	_ =	shalt  }
0x54: {  	_ =	shalt  }
0x55: {  	_ =	shalt  }
0x56: {  	_ =	shalt  }
0x57: {  	_ =	shalt  }
0x58: {  	_ =	shalt  }
0x59: {  	_ =	shalt  }
0x5a: {  	_ =	shalt  }
0x5b: {  	_ =	shalt  }
0x5c: {  	_ =	shalt  }
0x5d: {  	_ =	shalt  }
0x5e: {  	_ =	shalt  }
0x5f: {  	_ =	shalt  }
0x60: {  	_ =	shalt  }
0x61: {  	_ =	shalt  }
0x62: {  	_ =	shalt  }
0x63: {  	_ =	shalt  }
0x64: {  	_ =	shalt  }
0x65: {  	_ =	shalt  }
0x66: {  	_ =	shalt  }
0x67: {  	_ =	shalt  }
0x68: {  	_ =	shalt  }
0x69: {  	_ =	shalt  }
0x6a: {  	_ =	shalt  }
0x6b: {  	_ =	shalt  }
0x6c: {  	_ =	shalt  }
0x6d: {  	_ =	shalt  }
0x6e: {  	_ =	shalt  }
0x6f: {  	_ =	shalt  }
0x70: {  	_ =	shalt  }
0x71: {  	_ =	shalt  }
0x72: {  	_ =	shalt  }
0x73: {  	_ =	shalt  }
0x74: {  	_ =	shalt  }
0x75: {  	_ =	shalt  }
0x76: {  	_ =	shalt  }
0x77: {  	_ =	shalt  }
0x78: {  	_ =	shalt  }
0x79: {  	_ =	shalt  }
0x7a: {  	_ =	shalt  }
0x7b: {  	_ =	shalt  }
0x7c: {  	_ =	shalt  }
0x7d: {  	_ =	shalt  }
0x7e: {  	_ =	shalt  }
0x7f: {  	_ =	shalt  }
0x80: {  	_ =	shalt  }
0x81: {  	_ =	shalt  }
0x82: {  	_ =	shalt  }
0x83: {  	_ =	shalt  }
0x84: {  	_ =	shalt  }
0x85: {  	_ =	shalt  }
0x86: {  	_ =	shalt  }
0x87: {  	_ =	shalt  }
.Lfunc_end0:
.L_simem_size_0:
called_computation_lowered:
.L_overlay_start_0:
0x88: {  	s2 =	sld [smem:$0x3FD9]  }
0x89: {  	s3 =	sld [smem:$0x3FFE];
	_ =	sdelay $0x1  }
0x8a: {  	s1 =	srdreg.scid  }
0x8b: {  	s0 =	sand.u32 $0x1, s1  }
0x8c: {  	s17 =	sshll.u32 s0, $0xA;
	s2 =	sadd.s32 s3, s2  }
0x8d: {  	s2 =	sadd.s32 s2, s17  }
0x8e: {  	[smem:$0x3FC6] =	sst s2  }
0x8f: {  	_ = 	snop  }
0x90: {  	s2 =	sld [smem:$0x3FC9];
	(tm) =	ssettm $0x1  }
0x91: {  	s18 =	sld [smem:$0x3FFB];
	_ =	sdelay $0x3  }
0x92: {  	_ =	strace s18  }
0x93: {  	s3 =	sld [smem:$0x3FFC];
	_ =	sdelay $0x3  }
0x94: {  	_ =	strace s3  }
0x95: {  	s3 =	sld [smem:$0x3FFD];
	_ =	sdelay $0x3  }
0x96: {  	_ =	strace s3  }
0x97: {  	_ =	strace $0x8FFFFFFF  }
0x98: {  	s19 =	sld [smem:$0x3FDB];
	_ =	sdelay $0x1  }
0x99: {  	s4 =	simm.s32 $_scs_section_size  }
0x9a: {  	s5 =	simm.s32 $_size__tile_overlayer_lowered;
	s6 =	simm.s32 $_tile_overlayer_lowered  }
0x9b: {  	s22 =	simm.s32 $0x1BFF;
	s21 =	sshll.u32 s6, $0x1;
	s3 =	sadd.s32 s4, s19  }
0x9c: {  	s7 =	simm.s32 $0x0;
	s20 =	sshll.u32 s5, $0x1;
	s5 =	sadd.s32 s21, s3  }
0x9d: {  	[timem:s7], [sflag:s22] =	dma.local [hbm:s5], s20  }
0x9e: {  	_ =	swait.ge [sflag:s22], s20  }
0x9f: {  	s4 =	ssub.s32 $0x0, s20;
	[sflag:s22] =	ssyncset.done $0x0  }
0xa0: {  	[sflag:s22] =	ssyncadd.s32 s4;
	_ =	sdelay $0x1  }
0xa1: {  	s23 =	simm.s32 $0x1B8B  }
0xa2: {  	_ =	swait.ge [sflag:s23], $0x1  }
0xa3: {  	[sflag:s23] =	ssyncset.done $0x0  }
0xa4: {  	s25 =	simm.s32 $0x1B8E;
	s24 =	sld [smem:$0x3FFE];
	[sflag:s23] =	ssyncadd.s32 $0xFFFFFFFF  }
0xa5: {  	s26 =	simm.s32 $execute0_lowered;
	[smem:$0x3FD2] =	sst s25  }
0xa6: {  	s5 =	sshll.u32 s26, $0x1;
	_ =	strace $0x80000046;
	[dreg:$0x1] =	wrdreg $0xFFFFFFFF  }
0xa7: {  	s28 =	simm.s32 $_size_execute0_lowered;
	s3 =	sadd.s32 s3, s5;
	[dreg:$0x0] =	wrdreg $0x0  }
0xa8: {  	s5 =	sshll.u32 s28, $0x1;
	[dreg:$0x2] =	wrdreg s3  }
0xa9: {  	[dreg:$0x3] =	wrdreg s5  }
0xaa: {  	[dreg:$0x4] =	wrdreg $0xC0  }
0xab: {  	_ =	task [dreg:s7], $0x5FFFF  }
0xac: {  	[dreg:$0x1] =	wrdreg $0xFFFFFFFF  }
0xad: {  	[dreg:$0x0] =	wrdreg $0x60  }
0xae: {  	[dreg:$0x2] =	wrdreg s2  }
0xaf: {  	[dreg:$0x3] =	wrdreg s24  }
0xb0: {  	[dreg:$0x4] =	wrdreg $0x9  }
0xb1: {  	_ =	task.clear_ibuf [dreg:s7], $0x5FFFF;
	_ =	strace $0x90000046  }
0xb2: {  	s29 =	simm.s32 $0x9;
	_ =	strace $0x80000048  }
0xb3: {  	_ =	swait.ge [sflag:s29], $0x1  }
0xb4: {  	[sflag:s29] =	ssyncadd.s32 $0xFFFFFFFF  }
0xb5: {  	_ =	strace $0x90000048  }
0xb6: {  	_ =	sfence  }
0xb7: {  	s30 =	sld [smem:$0x0];
	_ =	sdelay $0x2  }
0xb8: {  	s31 =	sshll.u32 s1, $0xD;
	s1 =	sshrl.u32 s1, $0x2  }
0xb9: {  	s3 =	sand.u32 $0x4000, s31;
	s1 =	sadd.s32 s1, s30  }
0xba: {  	s0 =	sor.u32 s3, s0;
	s1 =	sshll.u32 s1, $0x11  }
0xbb: {  	s0 =	sor.u32 s1, s0  }
0xbc: {  	s0 =	sadd.s32 $0x8F2B, s0  }
0xbd: {  	[sflag:s0] =	ssyncadd.remote.s32 $0x1  }
0xbe: {  	_ =	sfence.sel $0xFFFF  }
0xbf: {  	[dreg:$0x0] =	wrdreg $0xFFFFFFFF;
	(pc) =	sbr.abs _section_cstart, $3  }
0xc0: {  	[dreg:$0x1] =	wrdreg $0xFFFFFFFF  }
0xc1: {  	_ =	task.clear_ibuf [dreg:s7], $0x2FFFF;
	_ =	strace $0x9FFFFFFF  }
0xc2: {  	(tm) =	ssettm $0x7FFFFFFF  }
0xc3: {  	_ =	shalt  }
tec
execute0_lowered:
.L_overlay_start_1:
0x0: {  	(tag) =	ssettag $0x1  }
0x1: {  	s4 =	rddreg [dreg:$0x0]  }
0x2: {  	s5 =	rddreg [dreg:$0x1]  }
0x3: {  	s0 =	rddreg [dreg:$0x2];
	s2 =	simm.s32 $0x0;
	s3 =	srdreg.scid  }
0x4: {  	s1 =	stileid.u32;
	s11 =	simm.s32 $0x80;
	s12 =	simm.s32 $0x200  }
0x5: {  	s13 =	simm.s32 $0x2200;
	s14 =	simm.s32 $0x1;
	s15 =	simm.s32 $0x8200  }
0x6: {  	s16 =	simm.s32 $0x100;
	s17 =	simm.s32 $0x4200;
	s18 =	simm.s32 $0x180  }
0x7: {  	s19 =	simm.s32 $0x6200;
	s20 =	simm.s32 $0x2;
	s21 =	simm.s32 $0x0  }
0x8: {  	[smem:$0x7FF] =	sst s2;
	s3 =	sand.u32 $0x1, s3;
	s6 =	sshll.u32 s1, $0x7  }
0x9: {  	s7 =	sshll.u32 s3, $0x6;
	s8 =	ssub.s32 $0x2, s3;
	_ =	strace $0x80000047  }
0xa: {  	v0 =	vlaneseq.u32;
	s3 =	sadd.s32 $0x186E00, s5;
	s6 =	sor.u32 s7, s6;
	s31 =	sshrl.u32 s8, $0x1  }
0xb: {  	v0 =	vmul.u32 $0x208, v0;
	s9 =	sadd.s32 s6, s5;
	s10 =	ssub.s32 s8, s31;
	s4 =	sadd.s32 s4, s6  }
0xc: {  	s5 =	sadd.s32 $0x400, s9;
	s6 =	sadd.s32 $0x410, s9;
	s7 =	sadd.s32 $0x420, s9  }
0xd: {  	v1 =	vadd.s32 $0x2080, v0;
	v2 =	vadd.s32 $0x4100, v0;
	v3 =	vadd.s32 $0x6180, v0;
	s8 =	sadd.s32 $0x430, s9;
	s9 =	smax.u32 s10, $0x1;
	s10 =	simm.s32 $0x3  }
.LBB2_1:
0xe: {  	[tilespmem:s2], [sflag:$0x3] =	stream.linear.gather [hbm4b:s4+s2], $0x200, $0x38;
	[tilespmem:$0x10400] =	vst v63  }
0xf: {  	_ =	swait.ge [sflag:s10], $0x200  }
0x10: {  	[sflag:s10] =	ssyncset.done $0x0  }
0x11: {  	[sflag:s10] =	ssyncadd.s32 $0xFFFFFE00  }
0x12: {  	[tilespmem:s12], [sflag:$0x1] =	stream.indirect.gather [hbm4b:s3+s11], $0x40, s2, s11, $0xb8;
	[tilespmem:$0x10400] =	vst v63  }
0x13: {  	_ = 	snop  }
0x14: {  	[tilespmem:s13], [sflag:$0x1] =	stream.indirect.gather [hbm4b:s3+s11], $0x40, s11, s11, $0xb8;
	[tilespmem:$0x10400] =	vst v63  }
0x15: {  	_ =	swait.ge [sflag:s14], $0x2000  }
0x16: {  	v4 =	vmov s2;
	[sflag:s14] =	ssyncset.done $0x0  }
0x17: {  	s24 =	simm.s32 $0x220;
	v8 =	vand.u32 $0x7F, v4;
	[sflag:s14] =	ssyncadd.s32 $0xFFFFE000  }
0x18: {  	v6 =	vadd.s32 v0, v8;
	v5 =	vld [tilespmem:s24+$0xFFFFFFE0];
	_ =	sdelay $0x1  }
0x19: {  	s22 =	simm.s32 $0x1  }
0x1a: {  	v4 =	vmov s22  }
0x1b: {  	s22 =	simm.s32 $0x260;
	v4 =	vand.u32 $0x7F, v4  }
0x1c: {  	v7 =	vadd.s32 v0, v4;
	[tilespmem:v6+s15+$0x0] =	vst.idx.msk $0xffff, v5;
	v6 =	vld [tilespmem:s22+$0xFFFFFFE0]  }
0x1d: {  	v10 =	vadd.s32 v1, v8;
	v9 =	vld [tilespmem:s24+$0xFFFFFFF0]  }
0x1e: {  	s23 =	simm.s32 $0x2  }
0x1f: {  	v5 =	vmov s23  }
0x20: {  	s23 =	simm.s32 $0x2A0;
	v5 =	vand.u32 $0x7F, v5  }
0x21: {  	[tilespmem:v7+s15+$0x0] =	vst.idx.msk $0xffff, v6;
	v6 =	vld [tilespmem:s23+$0xFFFFFFE0];
	v7 =	vadd.s32 v0, v5  }
0x22: {  	v11 =	vadd.s32 v1, v4;
	[tilespmem:v10+s15+$0x0] =	vst.idx.msk $0xffff, v9;
	v9 =	vld [tilespmem:s22+$0xFFFFFFF0]  }
0x23: {  	v15 =	vadd.s32 v2, v8;
	v14 =	vld [tilespmem:s24+$0x0]  }
0x24: {  	s26 =	simm.s32 $0x3  }
0x25: {  	v12 =	vmov s26  }
0x26: {  	s25 =	simm.s32 $0x2E0;
	[tilespmem:v7+s15+$0x0] =	vst.idx.msk $0xffff, v6;
	v6 =	vand.u32 $0x7F, v12  }
0x27: {  	v10 =	vld [tilespmem:s25+$0xFFFFFFE0];
	[tilespmem:v11+s15+$0x0] =	vst.idx.msk $0xffff, v9;
	v13 =	vadd.s32 v0, v6  }
0x28: {  	v12 =	vld [tilespmem:s23+$0xFFFFFFF0];
	[tilespmem:v15+s15+$0x0] =	vst.idx.msk $0xffff, v14;
	v14 =	vadd.s32 v1, v5  }
0x29: {  	v11 =	vadd.s32 v2, v4;
	v9 =	vld [tilespmem:s22+$0x0]  }
0x2a: {  	s26 =	simm.s32 $0x4;
	v8 =	vadd.s32 v3, v8;
	v7 =	vld [tilespmem:s24+$0x10];
	s24 =	simm.s32 $0x2E0  }
.LBB2_2:
0x2b: {  	v15 =	vmov s26;
	p0 =	sne.s32 s26, $0x7F  }
.Ltmp0:
0x2c: {  	s25 =	sadd.s32 $0x40, s25;
	v15 =	vand.u32 $0x7F, v15;
	[tilespmem:v13+s15+$0x0] =	vst.idx.msk $0xffff, v10;
	(pc) =	sbr.rel @p0 .LBB2_2-.Ltmp0, $4  }
0x2d: {  	v10 =	vld [tilespmem:s25+$0xFFFFFFE0];
	v13 =	vadd.s32 v0, v15;
	[tilespmem:v14+s15+$0x0] =	vst.idx.msk $0xffff, v12  }
0x2e: {  	s26 =	sadd.s32 $0x1, s26;
	v14 =	vadd.s32 v1, v6;
	v12 =	vld [tilespmem:s24+$0xFFFFFFF0];
	[tilespmem:v11+s15+$0x0] =	vst.idx.msk $0xffff, v9  }
0x2f: {  	v11 =	vadd.s32 v2, v5;
	v9 =	vld [tilespmem:s23+$0x0];
	[tilespmem:v8+s15+$0x0] =	vst.idx.msk $0xffff, v7  }
0x30: {  	v8 =	vadd.s32 v3, v4;
	v4 =	vmovc v5;
	v5 =	vmov v6;
	v6 =	vmov v15;
	v7 =	vld [tilespmem:s22+$0x10];
	s22 =	smov.u32 s23;
	s23 =	smov.u32 s24;
	s24 =	smov.u32 s25  }
0x31: {  	_ =	sdelay $0x3  }
0x32: {  	[tilespmem:v13+s15+$0x0] =	vst.idx.msk $0xffff, v10  }
0x33: {  	v59 =	vadd.s32 v1, v6;
	v10 =	vld [tilespmem:s24+$0xFFFFFFF0];
	_ =	sdelay $0x3  }
0x34: {  	[tilespmem:v14+s15+$0x0] =	vst.idx.msk $0xffff, v12  }
0x35: {  	v60 =	vadd.s32 v2, v5;
	v12 =	vld [tilespmem:s23+$0x0];
	[tilespmem:v59+s15+$0x0] =	vst.idx.msk $0xffff, v10  }
0x36: {  	v61 =	vadd.s32 v2, v6;
	v10 =	vld [tilespmem:s24+$0x0];
	_ =	sdelay $0x2  }
0x37: {  	[tilespmem:v11+s15+$0x0] =	vst.idx.msk $0xffff, v9  }
0x38: {  	v4 =	vadd.s32 v3, v4;
	v9 =	vld [tilespmem:s22+$0x10];
	[tilespmem:v60+s15+$0x0] =	vst.idx.msk $0xffff, v12  }
0x39: {  	v5 =	vadd.s32 v3, v5;
	v62 =	vld [tilespmem:s23+$0x10];
	[tilespmem:v61+s15+$0x0] =	vst.idx.msk $0xffff, v10  }
0x3a: {  	v63 =	vadd.s32 v3, v6;
	v10 =	vld [tilespmem:s24+$0x10];
	_ =	sdelay $0x1  }
0x3b: {  	[tilespmem:v8+s15+$0x0] =	vst.idx.msk $0xffff, v7  }
0x3c: {  	[tilespmem:v4+s15+$0x0] =	vst.idx.msk $0xffff, v9  }
0x3d: {  	s25 =	sadd.s32 $0x0, s5;
	[tilespmem:v5+s15+$0x0] =	vst.idx.msk $0xffff, v62  }
0x3e: {  	s22 =	simm.s32 $0x8200;
	s23 =	simm.s32 $0x800;
	s24 =	simm.s32 $0x8408;
	[tilespmem:v63+s15+$0x0] =	vst.idx.msk $0xffff, v10  }
.LBB2_4:
0x3f: {  	[hbm4b:s25+s2] =	stream.linear.scatter [tilespmem:s22], [sflag:$0x2], $0x80, $0x38;
	[tilespmem:$0x10400] =	vst v63  }
0x40: {  	s25 =	smov.u32 s23;
	s22 =	smov.u32 s24;
	p0 =	sne.s32 s23, $0x1F800  }
.Ltmp1:
0x41: {  	s23 =	sadd.s32 $0x800, s23;
	(pc) =	sbr.rel @p0 .LBB2_4-.Ltmp1, $2  }
0x42: {  	_ =	sdelay $0x2  }
0x43: {  	s24 =	sadd.s32 $0x208, s24;
	s25 =	sadd.s32 s25, s5  }
0x44: {  	[hbm4b:s25+s2] =	stream.linear.scatter [tilespmem:s22], [sflag:$0x2], $0x80, $0x38;
	[tilespmem:$0x10400] =	vst v63  }
0x45: {  	s30 =	simm.s32 $0x80  }
0x46: {  	[tilespmem:s17], [sflag:$0x1] =	stream.indirect.gather [hbm4b:s3+s30], $0x40, s16, s30, $0xb8;
	[tilespmem:$0x10400] =	vst v63  }
0x47: {  	_ =	swait.ge [sflag:s14], $0x2000  }
0x48: {  	v4 =	vmov s30;
	[sflag:s14] =	ssyncset.done $0x0  }
0x49: {  	s24 =	simm.s32 $0x2230;
	v8 =	vand.u32 $0xFF, v4;
	[sflag:s14] =	ssyncadd.s32 $0xFFFFE000  }
0x4a: {  	v6 =	vadd.s32 v0, v8;
	v5 =	vld [tilespmem:s24+$0xFFFFFFD0];
	_ =	sdelay $0x1  }
0x4b: {  	s31 =	simm.s32 $0x81  }
0x4c: {  	v4 =	vmov s31  }
0x4d: {  	s22 =	simm.s32 $0x2270;
	v4 =	vand.u32 $0xFF, v4  }
0x4e: {  	v7 =	vadd.s32 v0, v4;
	[tilespmem:v6+s15+$0x0] =	vst.idx.msk $0xffff, v5;
	v6 =	vld [tilespmem:s22+$0xFFFFFFD0]  }
0x4f: {  	v10 =	vadd.s32 v1, v8;
	v9 =	vld [tilespmem:s24+$0xFFFFFFE0]  }
0x50: {  	s23 =	simm.s32 $0x82  }
0x51: {  	v5 =	vmov s23  }
0x52: {  	s23 =	simm.s32 $0x22B0;
	v5 =	vand.u32 $0xFF, v5  }
0x53: {  	[tilespmem:v7+s15+$0x0] =	vst.idx.msk $0xffff, v6;
	v6 =	vld [tilespmem:s23+$0xFFFFFFD0];
	v7 =	vadd.s32 v0, v5  }
0x54: {  	v11 =	vadd.s32 v1, v4;
	[tilespmem:v10+s15+$0x0] =	vst.idx.msk $0xffff, v9;
	v9 =	vld [tilespmem:s22+$0xFFFFFFE0]  }
0x55: {  	v15 =	vadd.s32 v2, v8;
	v14 =	vld [tilespmem:s24+$0xFFFFFFF0]  }
0x56: {  	s26 =	simm.s32 $0x83  }
0x57: {  	v12 =	vmov s26  }
0x58: {  	s25 =	simm.s32 $0x22F0;
	[tilespmem:v7+s15+$0x0] =	vst.idx.msk $0xffff, v6;
	v6 =	vand.u32 $0xFF, v12  }
0x59: {  	v10 =	vld [tilespmem:s25+$0xFFFFFFD0];
	[tilespmem:v11+s15+$0x0] =	vst.idx.msk $0xffff, v9;
	v13 =	vadd.s32 v0, v6  }
0x5a: {  	v12 =	vld [tilespmem:s23+$0xFFFFFFE0];
	[tilespmem:v15+s15+$0x0] =	vst.idx.msk $0xffff, v14;
	v14 =	vadd.s32 v1, v5  }
0x5b: {  	v11 =	vadd.s32 v2, v4;
	v9 =	vld [tilespmem:s22+$0xFFFFFFF0]  }
0x5c: {  	s26 =	simm.s32 $0x84;
	v8 =	vadd.s32 v3, v8;
	v7 =	vld [tilespmem:s24+$0x0];
	s24 =	simm.s32 $0x22F0  }
.LBB2_6:
0x5d: {  	v15 =	vmov s26;
	p0 =	sne.s32 s26, $0xFF  }
.Ltmp2:
0x5e: {  	s25 =	sadd.s32 $0x40, s25;
	v15 =	vand.u32 $0xFF, v15;
	[tilespmem:v13+s15+$0x0] =	vst.idx.msk $0xffff, v10;
	(pc) =	sbr.rel @p0 .LBB2_6-.Ltmp2, $4  }
0x5f: {  	v10 =	vld [tilespmem:s25+$0xFFFFFFD0];
	v13 =	vadd.s32 v0, v15;
	[tilespmem:v14+s15+$0x0] =	vst.idx.msk $0xffff, v12  }
0x60: {  	s26 =	sadd.s32 $0x1, s26;
	v14 =	vadd.s32 v1, v6;
	v12 =	vld [tilespmem:s24+$0xFFFFFFE0];
	[tilespmem:v11+s15+$0x0] =	vst.idx.msk $0xffff, v9  }
0x61: {  	v11 =	vadd.s32 v2, v5;
	v9 =	vld [tilespmem:s23+$0xFFFFFFF0];
	[tilespmem:v8+s15+$0x0] =	vst.idx.msk $0xffff, v7  }
0x62: {  	v8 =	vadd.s32 v3, v4;
	v4 =	vmovc v5;
	v5 =	vmov v6;
	v6 =	vmov v15;
	v7 =	vld [tilespmem:s22+$0x0];
	s22 =	smov.u32 s23;
	s23 =	smov.u32 s24;
	s24 =	smov.u32 s25  }
0x63: {  	_ =	sdelay $0x3  }
0x64: {  	[tilespmem:v13+s15+$0x0] =	vst.idx.msk $0xffff, v10  }
0x65: {  	v59 =	vadd.s32 v1, v6;
	v10 =	vld [tilespmem:s24+$0xFFFFFFE0];
	_ =	sdelay $0x3  }
0x66: {  	[tilespmem:v14+s15+$0x0] =	vst.idx.msk $0xffff, v12  }
0x67: {  	v60 =	vadd.s32 v2, v5;
	v12 =	vld [tilespmem:s23+$0xFFFFFFF0];
	[tilespmem:v59+s15+$0x0] =	vst.idx.msk $0xffff, v10  }
0x68: {  	v61 =	vadd.s32 v2, v6;
	v10 =	vld [tilespmem:s24+$0xFFFFFFF0];
	_ =	sdelay $0x2  }
0x69: {  	[tilespmem:v11+s15+$0x0] =	vst.idx.msk $0xffff, v9  }
0x6a: {  	v4 =	vadd.s32 v3, v4;
	v9 =	vld [tilespmem:s22+$0x0];
	[tilespmem:v60+s15+$0x0] =	vst.idx.msk $0xffff, v12  }
0x6b: {  	v5 =	vadd.s32 v3, v5;
	v62 =	vld [tilespmem:s23+$0x0];
	[tilespmem:v61+s15+$0x0] =	vst.idx.msk $0xffff, v10  }
0x6c: {  	v63 =	vadd.s32 v3, v6;
	v10 =	vld [tilespmem:s24+$0x0];
	_ =	sdelay $0x1  }
0x6d: {  	[tilespmem:v8+s15+$0x0] =	vst.idx.msk $0xffff, v7  }
0x6e: {  	[tilespmem:v4+s15+$0x0] =	vst.idx.msk $0xffff, v9  }
0x6f: {  	s25 =	sadd.s32 $0x0, s6;
	[tilespmem:v5+s15+$0x0] =	vst.idx.msk $0xffff, v62  }
0x70: {  	s22 =	simm.s32 $0x8280;
	s23 =	simm.s32 $0x800;
	s24 =	simm.s32 $0x8488;
	[tilespmem:v63+s15+$0x0] =	vst.idx.msk $0xffff, v10  }
.LBB2_8:
0x71: {  	[hbm4b:s25+s2] =	stream.linear.scatter [tilespmem:s22], [sflag:$0x2], $0x80, $0x38;
	[tilespmem:$0x10400] =	vst v63  }
0x72: {  	s25 =	smov.u32 s23;
	s22 =	smov.u32 s24;
	p0 =	sne.s32 s23, $0x1F800  }
.Ltmp3:
0x73: {  	s23 =	sadd.s32 $0x800, s23;
	(pc) =	sbr.rel @p0 .LBB2_8-.Ltmp3, $2  }
0x74: {  	_ =	sdelay $0x2  }
0x75: {  	s24 =	sadd.s32 $0x208, s24;
	s25 =	sadd.s32 s25, s6  }
0x76: {  	[hbm4b:s25+s2] =	stream.linear.scatter [tilespmem:s22], [sflag:$0x2], $0x80, $0x38;
	[tilespmem:$0x10400] =	vst v63  }
0x77: {  	_ = 	snop  }
0x78: {  	[tilespmem:s19], [sflag:$0x1] =	stream.indirect.gather [hbm4b:s3+s11], $0x40, s18, s11, $0xb8;
	[tilespmem:$0x10400] =	vst v63  }
0x79: {  	s30 =	simm.s32 $0x100;
	_ =	swait.ge [sflag:s14], $0x2000  }
0x7a: {  	v4 =	vmov s30;
	[sflag:s14] =	ssyncset.done $0x0  }
0x7b: {  	s24 =	simm.s32 $0x4200;
	v8 =	vand.u32 $0x1FF, v4;
	[sflag:s14] =	ssyncadd.s32 $0xFFFFE000  }
0x7c: {  	v6 =	vadd.s32 v0, v8;
	v5 =	vld [tilespmem:s24+$0x0];
	_ =	sdelay $0x1  }
0x7d: {  	s31 =	simm.s32 $0x101  }
0x7e: {  	v4 =	vmov s31  }
0x7f: {  	s22 =	simm.s32 $0x4240;
	v4 =	vand.u32 $0x1FF, v4  }
0x80: {  	v7 =	vadd.s32 v0, v4;
	[tilespmem:v6+s15+$0x0] =	vst.idx.msk $0xffff, v5;
	v6 =	vld [tilespmem:s22+$0x0]  }
0x81: {  	v10 =	vadd.s32 v1, v8;
	v9 =	vld [tilespmem:s24+$0x10]  }
0x82: {  	s23 =	simm.s32 $0x102  }
0x83: {  	v5 =	vmov s23  }
0x84: {  	s23 =	simm.s32 $0x4280;
	v5 =	vand.u32 $0x1FF, v5  }
0x85: {  	[tilespmem:v7+s15+$0x0] =	vst.idx.msk $0xffff, v6;
	v6 =	vld [tilespmem:s23+$0x0];
	v7 =	vadd.s32 v0, v5  }
0x86: {  	v11 =	vadd.s32 v1, v4;
	[tilespmem:v10+s15+$0x0] =	vst.idx.msk $0xffff, v9;
	v9 =	vld [tilespmem:s22+$0x10]  }
0x87: {  	v15 =	vadd.s32 v2, v8;
	v14 =	vld [tilespmem:s24+$0x20]  }
0x88: {  	s26 =	simm.s32 $0x103  }
0x89: {  	v12 =	vmov s26  }
0x8a: {  	s25 =	simm.s32 $0x42C0;
	[tilespmem:v7+s15+$0x0] =	vst.idx.msk $0xffff, v6;
	v6 =	vand.u32 $0x1FF, v12  }
0x8b: {  	v10 =	vld [tilespmem:s25+$0x0];
	[tilespmem:v11+s15+$0x0] =	vst.idx.msk $0xffff, v9;
	v13 =	vadd.s32 v0, v6  }
0x8c: {  	v12 =	vld [tilespmem:s23+$0x10];
	[tilespmem:v15+s15+$0x0] =	vst.idx.msk $0xffff, v14;
	v14 =	vadd.s32 v1, v5  }
0x8d: {  	v11 =	vadd.s32 v2, v4;
	v9 =	vld [tilespmem:s22+$0x20]  }
0x8e: {  	s26 =	simm.s32 $0x104;
	v8 =	vadd.s32 v3, v8;
	v7 =	vld [tilespmem:s24+$0x30];
	s24 =	simm.s32 $0x42C0  }
.LBB2_10:
0x8f: {  	v15 =	vmov s26;
	p0 =	sne.s32 s26, $0x17F  }
.Ltmp4:
0x90: {  	s25 =	sadd.s32 $0x40, s25;
	v15 =	vand.u32 $0x1FF, v15;
	[tilespmem:v13+s15+$0x0] =	vst.idx.msk $0xffff, v10;
	(pc) =	sbr.rel @p0 .LBB2_10-.Ltmp4, $4  }
0x91: {  	v10 =	vld [tilespmem:s25+$0x0];
	v13 =	vadd.s32 v0, v15;
	[tilespmem:v14+s15+$0x0] =	vst.idx.msk $0xffff, v12  }
0x92: {  	s26 =	sadd.s32 $0x1, s26;
	v14 =	vadd.s32 v1, v6;
	v12 =	vld [tilespmem:s24+$0x10];
	[tilespmem:v11+s15+$0x0] =	vst.idx.msk $0xffff, v9  }
0x93: {  	v11 =	vadd.s32 v2, v5;
	v9 =	vld [tilespmem:s23+$0x20];
	[tilespmem:v8+s15+$0x0] =	vst.idx.msk $0xffff, v7  }
0x94: {  	v8 =	vadd.s32 v3, v4;
	v4 =	vmovc v5;
	v5 =	vmov v6;
	v6 =	vmov v15;
	v7 =	vld [tilespmem:s22+$0x30];
	s22 =	smov.u32 s23;
	s23 =	smov.u32 s24;
	s24 =	smov.u32 s25  }
0x95: {  	_ =	sdelay $0x3  }
0x96: {  	[tilespmem:v13+s15+$0x0] =	vst.idx.msk $0xffff, v10  }
0x97: {  	v59 =	vadd.s32 v1, v6;
	v10 =	vld [tilespmem:s24+$0x10];
	_ =	sdelay $0x3  }
0x98: {  	[tilespmem:v14+s15+$0x0] =	vst.idx.msk $0xffff, v12  }
0x99: {  	v60 =	vadd.s32 v2, v5;
	v12 =	vld [tilespmem:s23+$0x20];
	[tilespmem:v59+s15+$0x0] =	vst.idx.msk $0xffff, v10  }
0x9a: {  	v61 =	vadd.s32 v2, v6;
	v10 =	vld [tilespmem:s24+$0x20];
	_ =	sdelay $0x2  }
0x9b: {  	[tilespmem:v11+s15+$0x0] =	vst.idx.msk $0xffff, v9  }
0x9c: {  	v4 =	vadd.s32 v3, v4;
	v9 =	vld [tilespmem:s22+$0x30];
	[tilespmem:v60+s15+$0x0] =	vst.idx.msk $0xffff, v12  }
0x9d: {  	v5 =	vadd.s32 v3, v5;
	v62 =	vld [tilespmem:s23+$0x30];
	[tilespmem:v61+s15+$0x0] =	vst.idx.msk $0xffff, v10  }
0x9e: {  	v63 =	vadd.s32 v3, v6;
	v10 =	vld [tilespmem:s24+$0x30];
	_ =	sdelay $0x1  }
0x9f: {  	[tilespmem:v8+s15+$0x0] =	vst.idx.msk $0xffff, v7  }
0xa0: {  	[tilespmem:v4+s15+$0x0] =	vst.idx.msk $0xffff, v9  }
0xa1: {  	s25 =	sadd.s32 $0x0, s7;
	[tilespmem:v5+s15+$0x0] =	vst.idx.msk $0xffff, v62  }
0xa2: {  	s22 =	simm.s32 $0x8300;
	s23 =	simm.s32 $0x800;
	s24 =	simm.s32 $0x8508;
	[tilespmem:v63+s15+$0x0] =	vst.idx.msk $0xffff, v10  }
.LBB2_12:
0xa3: {  	[hbm4b:s25+s2] =	stream.linear.scatter [tilespmem:s22], [sflag:$0x2], $0x80, $0x38;
	[tilespmem:$0x10400] =	vst v63  }
0xa4: {  	s25 =	smov.u32 s23;
	s22 =	smov.u32 s24;
	p0 =	sne.s32 s23, $0x1F800  }
.Ltmp5:
0xa5: {  	s23 =	sadd.s32 $0x800, s23;
	(pc) =	sbr.rel @p0 .LBB2_12-.Ltmp5, $2  }
0xa6: {  	_ =	sdelay $0x2  }
0xa7: {  	s24 =	sadd.s32 $0x208, s24;
	s25 =	sadd.s32 s25, s7  }
0xa8: {  	[hbm4b:s25+s2] =	stream.linear.scatter [tilespmem:s22], [sflag:$0x2], $0x80, $0x38;
	[tilespmem:$0x10400] =	vst v63  }
0xa9: {  	s30 =	simm.s32 $0x180;
	_ =	swait.ge [sflag:s14], $0x2000  }
0xaa: {  	v4 =	vmov s30;
	[sflag:s14] =	ssyncset.done $0x0  }
0xab: {  	s24 =	simm.s32 $0x6200;
	v8 =	vand.u32 $0x1FF, v4;
	[sflag:s14] =	ssyncadd.s32 $0xFFFFE000  }
0xac: {  	v6 =	vadd.s32 v0, v8;
	v5 =	vld [tilespmem:s24+$0x0];
	_ =	sdelay $0x1  }
0xad: {  	s31 =	simm.s32 $0x181  }
0xae: {  	v4 =	vmov s31  }
0xaf: {  	s22 =	simm.s32 $0x6240;
	v4 =	vand.u32 $0x1FF, v4  }
0xb0: {  	v7 =	vadd.s32 v0, v4;
	[tilespmem:v6+s15+$0x0] =	vst.idx.msk $0xffff, v5;
	v6 =	vld [tilespmem:s22+$0x0]  }
0xb1: {  	v10 =	vadd.s32 v1, v8;
	v9 =	vld [tilespmem:s24+$0x10]  }
0xb2: {  	s23 =	simm.s32 $0x182  }
0xb3: {  	v5 =	vmov s23  }
0xb4: {  	s23 =	simm.s32 $0x6280;
	v5 =	vand.u32 $0x1FF, v5  }
0xb5: {  	[tilespmem:v7+s15+$0x0] =	vst.idx.msk $0xffff, v6;
	v6 =	vld [tilespmem:s23+$0x0];
	v7 =	vadd.s32 v0, v5  }
0xb6: {  	v11 =	vadd.s32 v1, v4;
	[tilespmem:v10+s15+$0x0] =	vst.idx.msk $0xffff, v9;
	v9 =	vld [tilespmem:s22+$0x10]  }
0xb7: {  	v15 =	vadd.s32 v2, v8;
	v14 =	vld [tilespmem:s24+$0x20]  }
0xb8: {  	s26 =	simm.s32 $0x183  }
0xb9: {  	v12 =	vmov s26  }
0xba: {  	s25 =	simm.s32 $0x62C0;
	[tilespmem:v7+s15+$0x0] =	vst.idx.msk $0xffff, v6;
	v6 =	vand.u32 $0x1FF, v12  }
0xbb: {  	v10 =	vld [tilespmem:s25+$0x0];
	[tilespmem:v11+s15+$0x0] =	vst.idx.msk $0xffff, v9;
	v13 =	vadd.s32 v0, v6  }
0xbc: {  	v12 =	vld [tilespmem:s23+$0x10];
	[tilespmem:v15+s15+$0x0] =	vst.idx.msk $0xffff, v14;
	v14 =	vadd.s32 v1, v5  }
0xbd: {  	v11 =	vadd.s32 v2, v4;
	v9 =	vld [tilespmem:s22+$0x20]  }
0xbe: {  	s26 =	simm.s32 $0x184;
	v8 =	vadd.s32 v3, v8;
	v7 =	vld [tilespmem:s24+$0x30];
	s24 =	simm.s32 $0x62C0  }
.LBB2_14:
0xbf: {  	v15 =	vmov s26;
	p0 =	sne.s32 s26, $0x1FF  }
.Ltmp6:
0xc0: {  	s25 =	sadd.s32 $0x40, s25;
	v15 =	vand.u32 $0x1FF, v15;
	[tilespmem:v13+s15+$0x0] =	vst.idx.msk $0xffff, v10;
	(pc) =	sbr.rel @p0 .LBB2_14-.Ltmp6, $4  }
0xc1: {  	v10 =	vld [tilespmem:s25+$0x0];
	v13 =	vadd.s32 v0, v15;
	[tilespmem:v14+s15+$0x0] =	vst.idx.msk $0xffff, v12  }
0xc2: {  	s26 =	sadd.s32 $0x1, s26;
	v14 =	vadd.s32 v1, v6;
	v12 =	vld [tilespmem:s24+$0x10];
	[tilespmem:v11+s15+$0x0] =	vst.idx.msk $0xffff, v9  }
0xc3: {  	v11 =	vadd.s32 v2, v5;
	v9 =	vld [tilespmem:s23+$0x20];
	[tilespmem:v8+s15+$0x0] =	vst.idx.msk $0xffff, v7  }
0xc4: {  	v8 =	vadd.s32 v3, v4;
	v4 =	vmovc v5;
	v5 =	vmov v6;
	v6 =	vmov v15;
	v7 =	vld [tilespmem:s22+$0x30];
	s22 =	smov.u32 s23;
	s23 =	smov.u32 s24;
	s24 =	smov.u32 s25  }
0xc5: {  	_ =	sdelay $0x3  }
0xc6: {  	[tilespmem:v13+s15+$0x0] =	vst.idx.msk $0xffff, v10  }
0xc7: {  	v59 =	vadd.s32 v1, v6;
	v10 =	vld [tilespmem:s24+$0x10];
	_ =	sdelay $0x3  }
0xc8: {  	[tilespmem:v14+s15+$0x0] =	vst.idx.msk $0xffff, v12  }
0xc9: {  	v60 =	vadd.s32 v2, v5;
	v12 =	vld [tilespmem:s23+$0x20];
	[tilespmem:v59+s15+$0x0] =	vst.idx.msk $0xffff, v10  }
0xca: {  	v61 =	vadd.s32 v2, v6;
	v10 =	vld [tilespmem:s24+$0x20];
	_ =	sdelay $0x2  }
0xcb: {  	[tilespmem:v11+s15+$0x0] =	vst.idx.msk $0xffff, v9  }
0xcc: {  	v4 =	vadd.s32 v3, v4;
	v9 =	vld [tilespmem:s22+$0x30];
	[tilespmem:v60+s15+$0x0] =	vst.idx.msk $0xffff, v12  }
0xcd: {  	v5 =	vadd.s32 v3, v5;
	v62 =	vld [tilespmem:s23+$0x30];
	[tilespmem:v61+s15+$0x0] =	vst.idx.msk $0xffff, v10  }
0xce: {  	v63 =	vadd.s32 v3, v6;
	v10 =	vld [tilespmem:s24+$0x30];
	_ =	sdelay $0x1  }
0xcf: {  	[tilespmem:v8+s15+$0x0] =	vst.idx.msk $0xffff, v7  }
0xd0: {  	[tilespmem:v4+s15+$0x0] =	vst.idx.msk $0xffff, v9  }
0xd1: {  	s25 =	sadd.s32 $0x0, s8;
	[tilespmem:v5+s15+$0x0] =	vst.idx.msk $0xffff, v62  }
0xd2: {  	s22 =	simm.s32 $0x8380;
	s23 =	simm.s32 $0x800;
	s24 =	simm.s32 $0x8588;
	[tilespmem:v63+s15+$0x0] =	vst.idx.msk $0xffff, v10  }
.LBB2_16:
0xd3: {  	[hbm4b:s25+s2] =	stream.linear.scatter [tilespmem:s22], [sflag:$0x2], $0x80, $0x38;
	[tilespmem:$0x10400] =	vst v63  }
0xd4: {  	s25 =	smov.u32 s23;
	s22 =	smov.u32 s24;
	p0 =	sne.s32 s23, $0x1F800  }
.Ltmp7:
0xd5: {  	s23 =	sadd.s32 $0x800, s23;
	(pc) =	sbr.rel @p0 .LBB2_16-.Ltmp7, $2  }
0xd6: {  	_ =	sdelay $0x2  }
0xd7: {  	s24 =	sadd.s32 $0x208, s24;
	s25 =	sadd.s32 s25, s8  }
0xd8: {  	[hbm4b:s25+s2] =	stream.linear.scatter [tilespmem:s22], [sflag:$0x2], $0x80, $0x38;
	[tilespmem:$0x10400] =	vst v63  }
0xd9: {  	_ =	swait.ge [sflag:s20], $0x2000  }
0xda: {  	[sflag:s20] =	ssyncset.done $0x0  }
0xdb: {  	[sflag:s20] =	ssyncadd.s32 $0xFFFFE000  }
0xdc: {  	_ =	swait.ge [sflag:s20], $0x2000  }
0xdd: {  	[sflag:s20] =	ssyncset.done $0x0  }
0xde: {  	s21 =	sadd.s32 $0x1, s21;
	[sflag:s20] =	ssyncadd.s32 $0xFFFFE000  }
0xdf: {  	p0 =	sne.s32 s21, s9;
	_ =	swait.ge [sflag:s20], $0x2000  }
.Ltmp8:
0xe0: {  	[sflag:s20] =	ssyncset.done $0x0;
	(pc) =	sbr.rel @p0 .LBB2_1-.Ltmp8, $4  }
0xe1: {  	[sflag:s20] =	ssyncadd.s32 $0xFFFFE000  }
0xe2: {  	_ =	swait.ge [sflag:s20], $0x2000  }
0xe3: {  	[sflag:s20] =	ssyncset.done $0x0  }
0xe4: {  	[sflag:s20] =	ssyncadd.s32 $0xFFFFE000  }
0xe5: {  	_ =	sfence.sel $0x180000  }
0xe6: {  	[bflag:$0x0] =	sbarrier.arrive $0xFFFF  }
0xe7: {  	p0 =	sne.s32 s1, $0x0;
	_ =	strace $0x90000047  }
0xe8: {  	s0 =	sadd.s32 @!p0 $0x100000, s0;
	[bflag:$0x2] =	sbarrier.arrive $0xFFFF  }
0xe9: {  	[sflag:s0] =	ssyncadd.tile.s32 @!p0 $0x1;
	_ =	shalt  }
.Lfunc_end2:
_tile_overlayer_lowered:
.L_overlay_start_2:
0xea: {  	(tag) =	ssettag $0x2  }
0xeb: {  	s0 =	rddreg [dreg:$0x0];
	s2 =	stileid.u32  }
0xec: {  	s1 =	rddreg [dreg:$0x1];
	p0 =	sne.s32 s2, $0x0  }
0xed: {  	s3 =	rddreg [dreg:$0x2];
	[bflag:$0x3] =	sbarrier.arrive $0xFFFF;
	s2 =	simm.s32 @!p0 $0x1C03  }
0xee: {  	[timem:s3], [sflag:s2] =	dma.local @!p0 [hbm:s0], s1  }
0xef: {  	s0 =	simm.s32 @!p0 $0x3  }
0xf0: {  	_ =	swait.ge @!p0 [sflag:s0], s1  }
0xf1: {  	s1 =	ssub.s32 @!p0 $0x0, s1;
	[sflag:s0] =	ssyncset.done @!p0 $0x0  }
0xf2: {  	[sflag:s0] =	ssyncadd.s32 @!p0 s1  }
0xf3: {  	[bflag:$0x3] =	sbarrier.arrive $0xFFFF  }
0xf4: {  	_ =	shalt  }

</sc_bundles>
